<compile_context>
chip_gen: v7x
topology: tpu7x:2x2x1
jax: 0.10.2.dev20260603
libtpu: 0.0.44.dev20260713+nightly
codegen_flags: <defaults>
</compile_context>

<pallas_src>
import functools

import jax
import jax.numpy as jnp
from jax import lax
from jax.experimental import pallas as pl
from jax.experimental.pallas import tpu as pltpu
from jax.experimental.pallas import tpu_sc as plsc

_BATCH = 4
_NC = 2
_NS = 16
_NW = _NC * _NS


_CHUNK = 32
_NBUF = 2


def kernel(encoding, batch_size, seq_len):
    max_len, dim = encoding.shape
    rows_per_w = max_len // _NW
    n_chunks = rows_per_w // _CHUNK

    mesh = plsc.VectorSubcoreMesh(core_axis_name="c", subcore_axis_name="s")

    @functools.partial(
        pl.kernel,
        mesh=mesh,
        out_type=jax.ShapeDtypeStruct((_BATCH, max_len, dim), encoding.dtype),
        scratch_types=[
            pltpu.VMEM((_NBUF, _CHUNK, dim), jnp.float32),
            pltpu.SemaphoreType.DMA,
            pltpu.SemaphoreType.DMA,
        ],
    )
    def sc_copy(enc_hbm, out_hbm, bufs, in_sem, out_sem):
        wid = lax.axis_index("s") * _NC + lax.axis_index("c")
        base = wid * rows_per_w

        def in_copy(i, slot):
            return pltpu.make_async_copy(
                enc_hbm.at[pl.ds(base + i * _CHUNK, _CHUNK)],
                bufs.at[slot],
                in_sem,
            )

        def out_copies(i, slot):
            return [
                pltpu.make_async_copy(
                    bufs.at[slot],
                    out_hbm.at[b, pl.ds(base + i * _CHUNK, _CHUNK)],
                    out_sem,
                )
                for b in range(_BATCH)
            ]

        in_copy(0, 0).start()

        def step(i, _):
            slot = lax.rem(i, _NBUF)
            in_copy(i, slot).wait()

            @pl.when(i + 1 < n_chunks)
            def _():
                in_copy(i + 1, lax.rem(i + 1, _NBUF)).start()

            cs = out_copies(i, slot)
            for c in cs:
                c.start()
            for c in cs:
                c.wait()
            return 0

        lax.fori_loop(0, n_chunks, step, 0)

    return sc_copy(encoding)

# --- scband reference (transcript-rebuilt; emitter-appended) ---
"""Pipeline reference for scband-positional-encoding-37890201485504 (READ-ONLY COPY).

The authoritative reference and input builder live on the scoring server;
editing this copy changes nothing except your own understanding.
"""

import jax, jax.numpy as jnp
import numpy as np

MAX_LEN = 8192
DIM = 1024

def setup_inputs(seed: int = 0) -> dict:
    key = jax.random.key(seed)
    # Learned positional embedding table, sized per init_kwargs (max_len, dim)
    encoding = jax.random.normal(key, (MAX_LEN, DIM), dtype=jnp.float32)
    return {"encoding": encoding, "batch_size": 4, "seq_len": 8192}

def reference(encoding, batch_size, seq_len):
    # positions = torch.arange(seq_len); seq_len always equals encoding.shape[0]
    static_len = encoding.shape[0]
    seq_len = jnp.asarray(seq_len)
    positions = jnp.arange(static_len, dtype=jnp.int32) + (seq_len - seq_len).astype(jnp.int32)
    # self.encoding(positions) -> gather rows from the embedding table
    pe = jnp.take(encoding, positions, axis=0)  # [seq_len, dim]
    # .unsqueeze(0).expand(batch_size, -1, -1); batch_size is always 4
    static_batch = 4
    batch_size = jnp.asarray(batch_size)
    out = jnp.broadcast_to(pe[None, :, :], (static_batch, static_len, encoding.shape[1]))
    out = out + (batch_size - batch_size).astype(out.dtype)
    return out

if __name__ == "__main__":
    import jax
    _d = setup_inputs()
    print(jax.jit(kernel)(*tuple(_d.values())))

</pallas_src>

<mosaic_0001>
#map = affine_map<(d0, d1) -> (0, 0)>
#map1 = affine_map<(d0, d1) -> (0, 0, 0)>
module attributes {stable_mosaic.version = 14 : i64} {
  func.func @sc_copy(%arg0: i32, %arg1: i32, %arg2: memref<8192x1024xf32, #tpu.memory_space<hbm>>, %arg3: memref<4x8192x1024xf32, #tpu.memory_space<hbm>>, %arg4: memref<2x32x1024xf32, #tpu.memory_space<vmem>>, %arg5: memref<!tpu.dma_semaphore, #tpu.memory_space<semaphore_mem>>, %arg6: memref<!tpu.dma_semaphore, #tpu.memory_space<semaphore_mem>>) attributes {dimension_semantics = [#tpu.dimension_semantics<core_parallel>, #tpu.dimension_semantics<subcore_parallel>], iteration_bounds = array<i64: 2, 16>, scalar_prefetch = 0 : i64, scratch_operands = 3 : i64, tpu.core_type = #tpu.core_type<sc_vector_subcore>, window_params = [{transform_indices = #map}, {transform_indices = #map1}]} {
    %mul3A = arith.constant 2 : i32
    %mul3A_0 = arith.muli %arg1, %mul3A : i32
    %add3A = arith.addi %mul3A_0, %arg0 : i32
    %mul3A_1 = arith.constant 256 : i32
    %mul3A_2 = arith.muli %add3A, %mul3A_1 : i32
    %add3A_3 = arith.constant 0 : i32
    %add3A_4 = arith.addi %mul3A_2, %add3A_3 : i32
    %dma_start3A = arith.constant 0 : i32
    %dma_start3A_5 = arith.constant 0 : i32
    %dma_start3A_6 = arith.constant 0 : i32
    %dma_start3A_7 = tpu.memref_slice %arg4[%dma_start3A, %dma_start3A_5, %dma_start3A_6] : memref<2x32x1024xf32, #tpu.memory_space<vmem>> -> memref<1x32x1024xf32, #tpu.memory_space<vmem>>
    %dma_start3A_8 = tpu.memref_squeeze %dma_start3A_7 : memref<1x32x1024xf32, #tpu.memory_space<vmem>> -> memref<32x1024xf32, #tpu.memory_space<vmem>>
    %dma_start3A_9 = arith.constant 0 : i32
    %dma_start3A_10 = tpu.memref_slice %arg2[%add3A_4, %dma_start3A_9] : memref<8192x1024xf32, #tpu.memory_space<hbm>> -> memref<32x1024xf32, #tpu.memory_space<hbm>>
    %dma_start3A_11 = arith.constant 0 : i32
    %dma_start3A_12 = arith.constant 0 : i32
    %dma_start3A_13 = tpu.memref_slice %arg4[%dma_start3A, %dma_start3A_11, %dma_start3A_12] : memref<2x32x1024xf32, #tpu.memory_space<vmem>> -> memref<1x32x1024xf32, #tpu.memory_space<vmem>>
    %dma_start3A_14 = tpu.memref_squeeze %dma_start3A_13 : memref<1x32x1024xf32, #tpu.memory_space<vmem>> -> memref<32x1024xf32, #tpu.memory_space<vmem>>
    %dma_start3A_15 = arith.constant 0 : i32
    %dma_start3A_16 = tpu.memref_slice %arg2[%add3A_4, %dma_start3A_15] : memref<8192x1024xf32, #tpu.memory_space<hbm>> -> memref<32x1024xf32, #tpu.memory_space<hbm>>
    tpu.enqueue_dma source(%dma_start3A_16 : memref<32x1024xf32, #tpu.memory_space<hbm>>) target(%dma_start3A_14 : memref<32x1024xf32, #tpu.memory_space<vmem>>) target_semaphore(%arg5 : memref<!tpu.dma_semaphore, #tpu.memory_space<semaphore_mem>>)
    %scan3A = arith.constant 0 : i32
    %scan3A_17 = arith.constant 0 : i32
    %scan3A_18 = arith.constant 8 : i32
    %scan3A_19 = arith.addi %scan3A_17, %scan3A_18 : i32
    %scan3A_20 = arith.constant 1 : i32
    %scan3A_21 = scf.for %scan3A_23 = %scan3A_17 to %scan3A_19 step %scan3A_20 iter_args(%scan3A_24 = %scan3A) -> (i32)  : i32 {
      %rem3A = arith.constant 2 : i32
      %rem3A_25 = arith.remsi %scan3A_23, %rem3A : i32
      %mul3A_26 = arith.constant 32 : i32
      %mul3A_27 = arith.muli %scan3A_23, %mul3A_26 : i32
      %add3A_28 = arith.addi %mul3A_2, %mul3A_27 : i32
      %dma_wait3A = arith.constant 0 : i32
      %dma_wait3A_29 = arith.constant 0 : i32
      %dma_wait3A_30 = tpu.memref_slice %arg4[%rem3A_25, %dma_wait3A, %dma_wait3A_29] : memref<2x32x1024xf32, #tpu.memory_space<vmem>> -> memref<1x32x1024xf32, #tpu.memory_space<vmem>>
      %dma_wait3A_31 = tpu.memref_squeeze %dma_wait3A_30 : memref<1x32x1024xf32, #tpu.memory_space<vmem>> -> memref<32x1024xf32, #tpu.memory_space<vmem>>
      %dma_wait3A_32 = arith.constant 0 : i32
      %dma_wait3A_33 = tpu.memref_slice %arg2[%add3A_28, %dma_wait3A_32] : memref<8192x1024xf32, #tpu.memory_space<hbm>> -> memref<32x1024xf32, #tpu.memory_space<hbm>>
      %dma_wait3A_34 = arith.constant 0 : i32
      %dma_wait3A_35 = arith.constant 0 : i32
      %dma_wait3A_36 = tpu.memref_slice %arg4[%rem3A_25, %dma_wait3A_34, %dma_wait3A_35] : memref<2x32x1024xf32, #tpu.memory_space<vmem>> -> memref<1x32x1024xf32, #tpu.memory_space<vmem>>
      %dma_wait3A_37 = tpu.memref_squeeze %dma_wait3A_36 : memref<1x32x1024xf32, #tpu.memory_space<vmem>> -> memref<32x1024xf32, #tpu.memory_space<vmem>>
      %dma_wait3A_38 = arith.constant 0 : i32
      %dma_wait3A_39 = tpu.memref_slice %arg2[%add3A_28, %dma_wait3A_38] : memref<8192x1024xf32, #tpu.memory_space<hbm>> -> memref<32x1024xf32, #tpu.memory_space<hbm>>
      tpu.wait_dma2 semaphore(%arg5 : memref<!tpu.dma_semaphore, #tpu.memory_space<semaphore_mem>>) src(%dma_wait3A_39 : memref<32x1024xf32, #tpu.memory_space<hbm>>) dst(%dma_wait3A_37 : memref<32x1024xf32, #tpu.memory_space<vmem>>)
      %add3A_40 = arith.constant 1 : i32
      %add3A_41 = arith.addi %scan3A_23, %add3A_40 : i32
      %lt3A = arith.constant 8 : i32
      %lt3A_42 = arith.cmpi slt, %add3A_41, %lt3A : i32
      %convert_element_type3A = arith.extui %lt3A_42 : i1 to i32
      %cond3A = arith.constant 0 : i32
      %cond3A_43 = arith.cmpi ne, %convert_element_type3A, %cond3A : i32
      scf.if %cond3A_43 {
        %add3A_177 = arith.constant 1 : i32
        %add3A_178 = arith.addi %scan3A_23, %add3A_177 : i32
        %add3A_179 = arith.constant 1 : i32
        %add3A_180 = arith.addi %scan3A_23, %add3A_179 : i32
        %rem3A_181 = arith.constant 2 : i32
        %rem3A_182 = arith.remsi %add3A_180, %rem3A_181 : i32
        %mul3A_183 = arith.constant 32 : i32
        %mul3A_184 = arith.muli %add3A_178, %mul3A_183 : i32
        %add3A_185 = arith.addi %mul3A_2, %mul3A_184 : i32
        %dma_start3A_186 = arith.constant 0 : i32
        %dma_start3A_187 = arith.constant 0 : i32
        %dma_start3A_188 = tpu.memref_slice %arg4[%rem3A_182, %dma_start3A_186, %dma_start3A_187] : memref<2x32x1024xf32, #tpu.memory_space<vmem>> -> memref<1x32x1024xf32, #tpu.memory_space<vmem>>
        %dma_start3A_189 = tpu.memref_squeeze %dma_start3A_188 : memref<1x32x1024xf32, #tpu.memory_space<vmem>> -> memref<32x1024xf32, #tpu.memory_space<vmem>>
        %dma_start3A_190 = arith.constant 0 : i32
        %dma_start3A_191 = tpu.memref_slice %arg2[%add3A_185, %dma_start3A_190] : memref<8192x1024xf32, #tpu.memory_space<hbm>> -> memref<32x1024xf32, #tpu.memory_space<hbm>>
        %dma_start3A_192 = arith.constant 0 : i32
        %dma_start3A_193 = arith.constant 0 : i32
        %dma_start3A_194 = tpu.memref_slice %arg4[%rem3A_182, %dma_start3A_192, %dma_start3A_193] : memref<2x32x1024xf32, #tpu.memory_space<vmem>> -> memref<1x32x1024xf32, #tpu.memory_space<vmem>>
        %dma_start3A_195 = tpu.memref_squeeze %dma_start3A_194 : memref<1x32x1024xf32, #tpu.memory_space<vmem>> -> memref<32x1024xf32, #tpu.memory_space<vmem>>
        %dma_start3A_196 = arith.constant 0 : i32
        %dma_start3A_197 = tpu.memref_slice %arg2[%add3A_185, %dma_start3A_196] : memref<8192x1024xf32, #tpu.memory_space<hbm>> -> memref<32x1024xf32, #tpu.memory_space<hbm>>
        tpu.enqueue_dma source(%dma_start3A_197 : memref<32x1024xf32, #tpu.memory_space<hbm>>) target(%dma_start3A_195 : memref<32x1024xf32, #tpu.memory_space<vmem>>) target_semaphore(%arg5 : memref<!tpu.dma_semaphore, #tpu.memory_space<semaphore_mem>>)
      } else {
      }
      %mul3A_44 = arith.constant 32 : i32
      %mul3A_45 = arith.muli %scan3A_23, %mul3A_44 : i32
      %add3A_46 = arith.addi %mul3A_2, %mul3A_45 : i32
      %mul3A_47 = arith.constant 32 : i32
      %mul3A_48 = arith.muli %scan3A_23, %mul3A_47 : i32
      %add3A_49 = arith.addi %mul3A_2, %mul3A_48 : i32
      %mul3A_50 = arith.constant 32 : i32
      %mul3A_51 = arith.muli %scan3A_23, %mul3A_50 : i32
      %add3A_52 = arith.addi %mul3A_2, %mul3A_51 : i32
      %mul3A_53 = arith.constant 32 : i32
      %mul3A_54 = arith.muli %scan3A_23, %mul3A_53 : i32
      %add3A_55 = arith.addi %mul3A_2, %mul3A_54 : i32
      %dma_start3A_56 = arith.constant 0 : i32
      %dma_start3A_57 = arith.constant 0 : i32
      %dma_start3A_58 = arith.constant 0 : i32
      %dma_start3A_59 = tpu.memref_slice %arg4[%rem3A_25, %dma_start3A_57, %dma_start3A_58] : memref<2x32x1024xf32, #tpu.memory_space<vmem>> -> memref<1x32x1024xf32, #tpu.memory_space<vmem>>
      %dma_start3A_60 = tpu.memref_squeeze %dma_start3A_59 : memref<1x32x1024xf32, #tpu.memory_space<vmem>> -> memref<32x1024xf32, #tpu.memory_space<vmem>>
      %dma_start3A_61 = arith.constant 0 : i32
      %dma_start3A_62 = tpu.memref_slice %arg3[%dma_start3A_56, %add3A_46, %dma_start3A_61] : memref<4x8192x1024xf32, #tpu.memory_space<hbm>> -> memref<1x32x1024xf32, #tpu.memory_space<hbm>>
      %dma_start3A_63 = tpu.memref_squeeze %dma_start3A_62 : memref<1x32x1024xf32, #tpu.memory_space<hbm>> -> memref<32x1024xf32, #tpu.memory_space<hbm>>
      %dma_start3A_64 = arith.constant 0 : i32
      %dma_start3A_65 = tpu.memref_slice %arg3[%dma_start3A_56, %add3A_46, %dma_start3A_64] : memref<4x8192x1024xf32, #tpu.memory_space<hbm>> -> memref<1x32x1024xf32, #tpu.memory_space<hbm>>
      %dma_start3A_66 = tpu.memref_squeeze %dma_start3A_65 : memref<1x32x1024xf32, #tpu.memory_space<hbm>> -> memref<32x1024xf32, #tpu.memory_space<hbm>>
      %dma_start3A_67 = arith.constant 0 : i32
      %dma_start3A_68 = arith.constant 0 : i32
      %dma_start3A_69 = tpu.memref_slice %arg4[%rem3A_25, %dma_start3A_67, %dma_start3A_68] : memref<2x32x1024xf32, #tpu.memory_space<vmem>> -> memref<1x32x1024xf32, #tpu.memory_space<vmem>>
      %dma_start3A_70 = tpu.memref_squeeze %dma_start3A_69 : memref<1x32x1024xf32, #tpu.memory_space<vmem>> -> memref<32x1024xf32, #tpu.memory_space<vmem>>
      tpu.enqueue_dma source(%dma_start3A_70 : memref<32x1024xf32, #tpu.memory_space<vmem>>) target(%dma_start3A_66 : memref<32x1024xf32, #tpu.memory_space<hbm>>) target_semaphore(%arg6 : memref<!tpu.dma_semaphore, #tpu.memory_space<semaphore_mem>>)
      %dma_start3A_71 = arith.constant 1 : i32
      %dma_start3A_72 = arith.constant 0 : i32
      %dma_start3A_73 = arith.constant 0 : i32
      %dma_start3A_74 = tpu.memref_slice %arg4[%rem3A_25, %dma_start3A_72, %dma_start3A_73] : memref<2x32x1024xf32, #tpu.memory_space<vmem>> -> memref<1x32x1024xf32, #tpu.memory_space<vmem>>
      %dma_start3A_75 = tpu.memref_squeeze %dma_start3A_74 : memref<1x32x1024xf32, #tpu.memory_space<vmem>> -> memref<32x1024xf32, #tpu.memory_space<vmem>>
      %dma_start3A_76 = arith.constant 0 : i32
      %dma_start3A_77 = tpu.memref_slice %arg3[%dma_start3A_71, %add3A_49, %dma_start3A_76] : memref<4x8192x1024xf32, #tpu.memory_space<hbm>> -> memref<1x32x1024xf32, #tpu.memory_space<hbm>>
      %dma_start3A_78 = tpu.memref_squeeze %dma_start3A_77 : memref<1x32x1024xf32, #tpu.memory_space<hbm>> -> memref<32x1024xf32, #tpu.memory_space<hbm>>
      %dma_start3A_79 = arith.constant 0 : i32
      %dma_start3A_80 = tpu.memref_slice %arg3[%dma_start3A_71, %add3A_49, %dma_start3A_79] : memref<4x8192x1024xf32, #tpu.memory_space<hbm>> -> memref<1x32x1024xf32, #tpu.memory_space<hbm>>
      %dma_start3A_81 = tpu.memref_squeeze %dma_start3A_80 : memref<1x32x1024xf32, #tpu.memory_space<hbm>> -> memref<32x1024xf32, #tpu.memory_space<hbm>>
      %dma_start3A_82 = arith.constant 0 : i32
      %dma_start3A_83 = arith.constant 0 : i32
      %dma_start3A_84 = tpu.memref_slice %arg4[%rem3A_25, %dma_start3A_82, %dma_start3A_83] : memref<2x32x1024xf32, #tpu.memory_space<vmem>> -> memref<1x32x1024xf32, #tpu.memory_space<vmem>>
      %dma_start3A_85 = tpu.memref_squeeze %dma_start3A_84 : memref<1x32x1024xf32, #tpu.memory_space<vmem>> -> memref<32x1024xf32, #tpu.memory_space<vmem>>
      tpu.enqueue_dma source(%dma_start3A_85 : memref<32x1024xf32, #tpu.memory_space<vmem>>) target(%dma_start3A_81 : memref<32x1024xf32, #tpu.memory_space<hbm>>) target_semaphore(%arg6 : memref<!tpu.dma_semaphore, #tpu.memory_space<semaphore_mem>>)
      %dma_start3A_86 = arith.constant 2 : i32
      %dma_start3A_87 = arith.constant 0 : i32
      %dma_start3A_88 = arith.constant 0 : i32
      %dma_start3A_89 = tpu.memref_slice %arg4[%rem3A_25, %dma_start3A_87, %dma_start3A_88] : memref<2x32x1024xf32, #tpu.memory_space<vmem>> -> memref<1x32x1024xf32, #tpu.memory_space<vmem>>
      %dma_start3A_90 = tpu.memref_squeeze %dma_start3A_89 : memref<1x32x1024xf32, #tpu.memory_space<vmem>> -> memref<32x1024xf32, #tpu.memory_space<vmem>>
      %dma_start3A_91 = arith.constant 0 : i32
      %dma_start3A_92 = tpu.memref_slice %arg3[%dma_start3A_86, %add3A_52, %dma_start3A_91] : memref<4x8192x1024xf32, #tpu.memory_space<hbm>> -> memref<1x32x1024xf32, #tpu.memory_space<hbm>>
      %dma_start3A_93 = tpu.memref_squeeze %dma_start3A_92 : memref<1x32x1024xf32, #tpu.memory_space<hbm>> -> memref<32x1024xf32, #tpu.memory_space<hbm>>
      %dma_start3A_94 = arith.constant 0 : i32
      %dma_start3A_95 = tpu.memref_slice %arg3[%dma_start3A_86, %add3A_52, %dma_start3A_94] : memref<4x8192x1024xf32, #tpu.memory_space<hbm>> -> memref<1x32x1024xf32, #tpu.memory_space<hbm>>
      %dma_start3A_96 = tpu.memref_squeeze %dma_start3A_95 : memref<1x32x1024xf32, #tpu.memory_space<hbm>> -> memref<32x1024xf32, #tpu.memory_space<hbm>>
      %dma_start3A_97 = arith.constant 0 : i32
      %dma_start3A_98 = arith.constant 0 : i32
      %dma_start3A_99 = tpu.memref_slice %arg4[%rem3A_25, %dma_start3A_97, %dma_start3A_98] : memref<2x32x1024xf32, #tpu.memory_space<vmem>> -> memref<1x32x1024xf32, #tpu.memory_space<vmem>>
      %dma_start3A_100 = tpu.memref_squeeze %dma_start3A_99 : memref<1x32x1024xf32, #tpu.memory_space<vmem>> -> memref<32x1024xf32, #tpu.memory_space<vmem>>
      tpu.enqueue_dma source(%dma_start3A_100 : memref<32x1024xf32, #tpu.memory_space<vmem>>) target(%dma_start3A_96 : memref<32x1024xf32, #tpu.memory_space<hbm>>) target_semaphore(%arg6 : memref<!tpu.dma_semaphore, #tpu.memory_space<semaphore_mem>>)
      %dma_start3A_101 = arith.constant 3 : i32
      %dma_start3A_102 = arith.constant 0 : i32
      %dma_start3A_103 = arith.constant 0 : i32
      %dma_start3A_104 = tpu.memref_slice %arg4[%rem3A_25, %dma_start3A_102, %dma_start3A_103] : memref<2x32x1024xf32, #tpu.memory_space<vmem>> -> memref<1x32x1024xf32, #tpu.memory_space<vmem>>
      %dma_start3A_105 = tpu.memref_squeeze %dma_start3A_104 : memref<1x32x1024xf32, #tpu.memory_space<vmem>> -> memref<32x1024xf32, #tpu.memory_space<vmem>>
      %dma_start3A_106 = arith.constant 0 : i32
      %dma_start3A_107 = tpu.memref_slice %arg3[%dma_start3A_101, %add3A_55, %dma_start3A_106] : memref<4x8192x1024xf32, #tpu.memory_space<hbm>> -> memref<1x32x1024xf32, #tpu.memory_space<hbm>>
      %dma_start3A_108 = tpu.memref_squeeze %dma_start3A_107 : memref<1x32x1024xf32, #tpu.memory_space<hbm>> -> memref<32x1024xf32, #tpu.memory_space<hbm>>
      %dma_start3A_109 = arith.constant 0 : i32
      %dma_start3A_110 = tpu.memref_slice %arg3[%dma_start3A_101, %add3A_55, %dma_start3A_109] : memref<4x8192x1024xf32, #tpu.memory_space<hbm>> -> memref<1x32x1024xf32, #tpu.memory_space<hbm>>
      %dma_start3A_111 = tpu.memref_squeeze %dma_start3A_110 : memref<1x32x1024xf32, #tpu.memory_space<hbm>> -> memref<32x1024xf32, #tpu.memory_space<hbm>>
      %dma_start3A_112 = arith.constant 0 : i32
      %dma_start3A_113 = arith.constant 0 : i32
      %dma_start3A_114 = tpu.memref_slice %arg4[%rem3A_25, %dma_start3A_112, %dma_start3A_113] : memref<2x32x1024xf32, #tpu.memory_space<vmem>> -> memref<1x32x1024xf32, #tpu.memory_space<vmem>>
      %dma_start3A_115 = tpu.memref_squeeze %dma_start3A_114 : memref<1x32x1024xf32, #tpu.memory_space<vmem>> -> memref<32x1024xf32, #tpu.memory_space<vmem>>
      tpu.enqueue_dma source(%dma_start3A_115 : memref<32x1024xf32, #tpu.memory_space<vmem>>) target(%dma_start3A_111 : memref<32x1024xf32, #tpu.memory_space<hbm>>) target_semaphore(%arg6 : memref<!tpu.dma_semaphore, #tpu.memory_space<semaphore_mem>>)
      %dma_wait3A_116 = arith.constant 0 : i32
      %dma_wait3A_117 = arith.constant 0 : i32
      %dma_wait3A_118 = arith.constant 0 : i32
      %dma_wait3A_119 = tpu.memref_slice %arg4[%rem3A_25, %dma_wait3A_117, %dma_wait3A_118] : memref<2x32x1024xf32, #tpu.memory_space<vmem>> -> memref<1x32x1024xf32, #tpu.memory_space<vmem>>
      %dma_wait3A_120 = tpu.memref_squeeze %dma_wait3A_119 : memref<1x32x1024xf32, #tpu.memory_space<vmem>> -> memref<32x1024xf32, #tpu.memory_space<vmem>>
      %dma_wait3A_121 = arith.constant 0 : i32
      %dma_wait3A_122 = tpu.memref_slice %arg3[%dma_wait3A_116, %add3A_46, %dma_wait3A_121] : memref<4x8192x1024xf32, #tpu.memory_space<hbm>> -> memref<1x32x1024xf32, #tpu.memory_space<hbm>>
      %dma_wait3A_123 = tpu.memref_squeeze %dma_wait3A_122 : memref<1x32x1024xf32, #tpu.memory_space<hbm>> -> memref<32x1024xf32, #tpu.memory_space<hbm>>
      %dma_wait3A_124 = arith.constant 0 : i32
      %dma_wait3A_125 = tpu.memref_slice %arg3[%dma_wait3A_116, %add3A_46, %dma_wait3A_124] : memref<4x8192x1024xf32, #tpu.memory_space<hbm>> -> memref<1x32x1024xf32, #tpu.memory_space<hbm>>
      %dma_wait3A_126 = tpu.memref_squeeze %dma_wait3A_125 : memref<1x32x1024xf32, #tpu.memory_space<hbm>> -> memref<32x1024xf32, #tpu.memory_space<hbm>>
      %dma_wait3A_127 = arith.constant 0 : i32
      %dma_wait3A_128 = arith.constant 0 : i32
      %dma_wait3A_129 = tpu.memref_slice %arg4[%rem3A_25, %dma_wait3A_127, %dma_wait3A_128] : memref<2x32x1024xf32, #tpu.memory_space<vmem>> -> memref<1x32x1024xf32, #tpu.memory_space<vmem>>
      %dma_wait3A_130 = tpu.memref_squeeze %dma_wait3A_129 : memref<1x32x1024xf32, #tpu.memory_space<vmem>> -> memref<32x1024xf32, #tpu.memory_space<vmem>>
      tpu.wait_dma2 semaphore(%arg6 : memref<!tpu.dma_semaphore, #tpu.memory_space<semaphore_mem>>) src(%dma_wait3A_130 : memref<32x1024xf32, #tpu.memory_space<vmem>>) dst(%dma_wait3A_126 : memref<32x1024xf32, #tpu.memory_space<hbm>>)
      %dma_wait3A_131 = arith.constant 1 : i32
      %dma_wait3A_132 = arith.constant 0 : i32
      %dma_wait3A_133 = arith.constant 0 : i32
      %dma_wait3A_134 = tpu.memref_slice %arg4[%rem3A_25, %dma_wait3A_132, %dma_wait3A_133] : memref<2x32x1024xf32, #tpu.memory_space<vmem>> -> memref<1x32x1024xf32, #tpu.memory_space<vmem>>
      %dma_wait3A_135 = tpu.memref_squeeze %dma_wait3A_134 : memref<1x32x1024xf32, #tpu.memory_space<vmem>> -> memref<32x1024xf32, #tpu.memory_space<vmem>>
      %dma_wait3A_136 = arith.constant 0 : i32
      %dma_wait3A_137 = tpu.memref_slice %arg3[%dma_wait3A_131, %add3A_49, %dma_wait3A_136] : memref<4x8192x1024xf32, #tpu.memory_space<hbm>> -> memref<1x32x1024xf32, #tpu.memory_space<hbm>>
      %dma_wait3A_138 = tpu.memref_squeeze %dma_wait3A_137 : memref<1x32x1024xf32, #tpu.memory_space<hbm>> -> memref<32x1024xf32, #tpu.memory_space<hbm>>
      %dma_wait3A_139 = arith.constant 0 : i32
      %dma_wait3A_140 = tpu.memref_slice %arg3[%dma_wait3A_131, %add3A_49, %dma_wait3A_139] : memref<4x8192x1024xf32, #tpu.memory_space<hbm>> -> memref<1x32x1024xf32, #tpu.memory_space<hbm>>
      %dma_wait3A_141 = tpu.memref_squeeze %dma_wait3A_140 : memref<1x32x1024xf32, #tpu.memory_space<hbm>> -> memref<32x1024xf32, #tpu.memory_space<hbm>>
      %dma_wait3A_142 = arith.constant 0 : i32
      %dma_wait3A_143 = arith.constant 0 : i32
      %dma_wait3A_144 = tpu.memref_slice %arg4[%rem3A_25, %dma_wait3A_142, %dma_wait3A_143] : memref<2x32x1024xf32, #tpu.memory_space<vmem>> -> memref<1x32x1024xf32, #tpu.memory_space<vmem>>
      %dma_wait3A_145 = tpu.memref_squeeze %dma_wait3A_144 : memref<1x32x1024xf32, #tpu.memory_space<vmem>> -> memref<32x1024xf32, #tpu.memory_space<vmem>>
      tpu.wait_dma2 semaphore(%arg6 : memref<!tpu.dma_semaphore, #tpu.memory_space<semaphore_mem>>) src(%dma_wait3A_145 : memref<32x1024xf32, #tpu.memory_space<vmem>>) dst(%dma_wait3A_141 : memref<32x1024xf32, #tpu.memory_space<hbm>>)
      %dma_wait3A_146 = arith.constant 2 : i32
      %dma_wait3A_147 = arith.constant 0 : i32
      %dma_wait3A_148 = arith.constant 0 : i32
      %dma_wait3A_149 = tpu.memref_slice %arg4[%rem3A_25, %dma_wait3A_147, %dma_wait3A_148] : memref<2x32x1024xf32, #tpu.memory_space<vmem>> -> memref<1x32x1024xf32, #tpu.memory_space<vmem>>
      %dma_wait3A_150 = tpu.memref_squeeze %dma_wait3A_149 : memref<1x32x1024xf32, #tpu.memory_space<vmem>> -> memref<32x1024xf32, #tpu.memory_space<vmem>>
      %dma_wait3A_151 = arith.constant 0 : i32
      %dma_wait3A_152 = tpu.memref_slice %arg3[%dma_wait3A_146, %add3A_52, %dma_wait3A_151] : memref<4x8192x1024xf32, #tpu.memory_space<hbm>> -> memref<1x32x1024xf32, #tpu.memory_space<hbm>>
      %dma_wait3A_153 = tpu.memref_squeeze %dma_wait3A_152 : memref<1x32x1024xf32, #tpu.memory_space<hbm>> -> memref<32x1024xf32, #tpu.memory_space<hbm>>
      %dma_wait3A_154 = arith.constant 0 : i32
      %dma_wait3A_155 = tpu.memref_slice %arg3[%dma_wait3A_146, %add3A_52, %dma_wait3A_154] : memref<4x8192x1024xf32, #tpu.memory_space<hbm>> -> memref<1x32x1024xf32, #tpu.memory_space<hbm>>
      %dma_wait3A_156 = tpu.memref_squeeze %dma_wait3A_155 : memref<1x32x1024xf32, #tpu.memory_space<hbm>> -> memref<32x1024xf32, #tpu.memory_space<hbm>>
      %dma_wait3A_157 = arith.constant 0 : i32
      %dma_wait3A_158 = arith.constant 0 : i32
      %dma_wait3A_159 = tpu.memref_slice %arg4[%rem3A_25, %dma_wait3A_157, %dma_wait3A_158] : memref<2x32x1024xf32, #tpu.memory_space<vmem>> -> memref<1x32x1024xf32, #tpu.memory_space<vmem>>
      %dma_wait3A_160 = tpu.memref_squeeze %dma_wait3A_159 : memref<1x32x1024xf32, #tpu.memory_space<vmem>> -> memref<32x1024xf32, #tpu.memory_space<vmem>>
      tpu.wait_dma2 semaphore(%arg6 : memref<!tpu.dma_semaphore, #tpu.memory_space<semaphore_mem>>) src(%dma_wait3A_160 : memref<32x1024xf32, #tpu.memory_space<vmem>>) dst(%dma_wait3A_156 : memref<32x1024xf32, #tpu.memory_space<hbm>>)
      %dma_wait3A_161 = arith.constant 3 : i32
      %dma_wait3A_162 = arith.constant 0 : i32
      %dma_wait3A_163 = arith.constant 0 : i32
      %dma_wait3A_164 = tpu.memref_slice %arg4[%rem3A_25, %dma_wait3A_162, %dma_wait3A_163] : memref<2x32x1024xf32, #tpu.memory_space<vmem>> -> memref<1x32x1024xf32, #tpu.memory_space<vmem>>
      %dma_wait3A_165 = tpu.memref_squeeze %dma_wait3A_164 : memref<1x32x1024xf32, #tpu.memory_space<vmem>> -> memref<32x1024xf32, #tpu.memory_space<vmem>>
      %dma_wait3A_166 = arith.constant 0 : i32
      %dma_wait3A_167 = tpu.memref_slice %arg3[%dma_wait3A_161, %add3A_55, %dma_wait3A_166] : memref<4x8192x1024xf32, #tpu.memory_space<hbm>> -> memref<1x32x1024xf32, #tpu.memory_space<hbm>>
      %dma_wait3A_168 = tpu.memref_squeeze %dma_wait3A_167 : memref<1x32x1024xf32, #tpu.memory_space<hbm>> -> memref<32x1024xf32, #tpu.memory_space<hbm>>
      %dma_wait3A_169 = arith.constant 0 : i32
      %dma_wait3A_170 = tpu.memref_slice %arg3[%dma_wait3A_161, %add3A_55, %dma_wait3A_169] : memref<4x8192x1024xf32, #tpu.memory_space<hbm>> -> memref<1x32x1024xf32, #tpu.memory_space<hbm>>
      %dma_wait3A_171 = tpu.memref_squeeze %dma_wait3A_170 : memref<1x32x1024xf32, #tpu.memory_space<hbm>> -> memref<32x1024xf32, #tpu.memory_space<hbm>>
      %dma_wait3A_172 = arith.constant 0 : i32
      %dma_wait3A_173 = arith.constant 0 : i32
      %dma_wait3A_174 = tpu.memref_slice %arg4[%rem3A_25, %dma_wait3A_172, %dma_wait3A_173] : memref<2x32x1024xf32, #tpu.memory_space<vmem>> -> memref<1x32x1024xf32, #tpu.memory_space<vmem>>
      %dma_wait3A_175 = tpu.memref_squeeze %dma_wait3A_174 : memref<1x32x1024xf32, #tpu.memory_space<vmem>> -> memref<32x1024xf32, #tpu.memory_space<vmem>>
      tpu.wait_dma2 semaphore(%arg6 : memref<!tpu.dma_semaphore, #tpu.memory_space<semaphore_mem>>) src(%dma_wait3A_175 : memref<32x1024xf32, #tpu.memory_space<vmem>>) dst(%dma_wait3A_171 : memref<32x1024xf32, #tpu.memory_space<hbm>>)
      %scan3A_176 = arith.constant 0 : i32
      scf.yield %scan3A_176 : i32
    }
    %scan3A_22 = arith.constant 8 : i32
    return
  }
}

</mosaic_0001>

<sc_bundles>
// kernel: kernel.3.cloned.1.call-start
scs
__scs_entry_jumppad:
0x0: {  	(pc) =	sbr.rel $0x88, $3  }
0x1: {  	(tag) =	ssettag $0x0;
	lr =	simm.s32 $0x1  }
0x2: {  	[smem:$0x3FA0] =	sst lr;
	_ =	strace $0xD0000000  }
0x3: {  	_ = 	snop  }
0x4: {  	_ = 	snop  }
0x5: {  	_ = 	snop  }
0x6: {  	_ = 	snop  }
0x7: {  	_ = 	snop  }
__scs_overlays_trampoline_lowered:
0x8: {  	[smem:$0x3FAF] =	sst s0  }
0x9: {  	[smem:$0x3FB0] =	sst s1  }
0xa: {  	[smem:$0x3FB1] =	sst s2  }
0xb: {  	[smem:$0x3FB2] =	sst s3  }
0xc: {  	[smem:$0x3FB3] =	sst s4  }
0xd: {  	[smem:$0x3FB4] =	sst s5  }
0xe: {  	[smem:$0x3FB5] =	sst s6  }
0xf: {  	[smem:$0x3FB6] =	sst s7  }
0x10: {  	[smem:$0x3FB7] =	sst s8  }
0x11: {  	[smem:$0x3FB8] =	sst s9;
	s0 =	simm.s32 @!p0 $0x0  }
0x12: {  	s1 =	sld [smem:$0x3F9E];
	s0 =	simm.s32 @p0 $0x1  }
0x13: {  	[smem:$0x3FB9] =	sst s0;
	s0 =	simm.s32 @!p1 $0x0  }
0x14: {  	s2 =	sld [smem:$0x3F9D];
	s0 =	simm.s32 @p1 $0x1  }
0x15: {  	[smem:$0x3FBA] =	sst s0;
	s0 =	simm.s32 @!p2 $0x0  }
0x16: {  	s3 =	sld [smem:$0x3FDB];
	s0 =	simm.s32 @p2 $0x1  }
0x17: {  	s4 =	simm.s32 $0x1BF5;
	[smem:$0x3FBC] =	sst s0  }
0x18: {  	s0 =	sld [smem:$0x3F9F];
	_ =	swait.ge [sflag:s4], $0x0  }
0x19: {  	s7 =	sld [smem:$0x3FA0]  }
0x1a: {  	s8 =	sadd.s32 $0xFFFFE003, lr  }
0x1b: {  	s9 =	sadd.s32 $0xFFFFFEF7, lr;
	s5 =	simm.s32 $0xFFFFFFFF;
	p2 =	slt.u32 s8, $0xFFFFF086  }
0x1c: {  	p1 =	slt.u32 s9, $0xF7A;
	s5 =	simm.s32 @!p2 $0x0  }
0x1d: {  	s5 =	simm.s32 @p1 $0x1;
	p0 =	seq.s32 s7, s2  }
0x1e: {  	s7 =	smul.u32 @!p0 $0xF7A, s2;
	p2 =	seq.s32 @!p0 s5, $0x0  }
0x1f: {  	s9 =	smul.u32 $0xF7A, s1;
	s8 =	simm.s32 @!p0 $0x1BF5;
	p2 =	por !p2, p0  }
0x20: {  	[sflag:s8] =	ssyncset.s32 @!p0 $0xFFFFF086;
	s6 =	sadd.s32 @!p0 s3, s7;
	s7 =	simm.s32 @!p0 $0x108  }
0x21: {  	s3 =	sadd.s32 s3, s9;
	s6 =	sadd.s32 @!p0 $0x88, s6;
	s7 =	simm.s32 @p2 $0x1082  }
0x22: {  	[simem:s7], [sflag:s8] =	dma.local @!p0 [hbm:s6], $0xF7A  }
0x23: {  	s9 =	sor.u32 $0xD0000000, s2;
	s6 =	simm.s32 $0x108;
	_ =	swait.ge @!p0 [sflag:s8], $0x0  }
0x24: {  	s3 =	sadd.s32 $0x88, s3;
	s6 =	simm.s32 @!p1 $0x1082;
	[sflag:s4] =	ssyncset.s32 $0xFFFFF086  }
0x25: {  	[simem:s6], [sflag:s4] =	dma.local [hbm:s3], $0xF7A  }
0x26: {  	[smem:$0x3FA0] =	sst s1;
	(tag) =	ssettag s2;
	_ =	strace s9  }
0x27: {  	s1 =	sld [smem:$0x3FB0]  }
0x28: {  	s2 =	sld [smem:$0x3FB1]  }
0x29: {  	s4 =	sld [smem:$0x3FB3]  }
0x2a: {  	p0 =	seq.s32 s5, $0x0;
	s5 =	sld [smem:$0x3FB4]  }
0x2b: {  	s6 =	sld [smem:$0x3FB5]  }
0x2c: {  	s7 =	sld [smem:$0x3FB6]  }
0x2d: {  	s3 =	simm.s32 $0x108;
	s8 =	sld [smem:$0x3FB7]  }
0x2e: {  	s3 =	simm.s32 @!p0 $0x1082;
	s9 =	sld [smem:$0x3FB8]  }
0x2f: {  	lr =	sadd.s32 s0, s3;
	s0 =	sld [smem:$0x3FAF]  }
0x30: {  	s3 =	sld [smem:$0x3FB2]  }
0x31: {  	[smem:$0x3FBB] =	sst s10  }
0x32: {  	s10 =	sld [smem:$0x3FB9];
	_ =	sdelay $0x3  }
0x33: {  	p0 =	seq.s32 s10, $0x1;
	s10 =	sld [smem:$0x3FBB];
	_ =	sdelay $0x3  }
0x34: {  	[smem:$0x3FBB] =	sst s10  }
0x35: {  	s10 =	sld [smem:$0x3FBA];
	_ =	sdelay $0x3  }
0x36: {  	p1 =	seq.s32 s10, $0x1;
	s10 =	sld [smem:$0x3FBB];
	_ =	sdelay $0x3  }
0x37: {  	[smem:$0x3FBB] =	sst s10  }
0x38: {  	s10 =	sld [smem:$0x3FBC]  }
0x39: {  	_ = 	snop;
	(pc) =	sbr.ind lr, $3  }
0x3a: {  	_ = 	snop  }
0x3b: {  	_ = 	snop  }
0x3c: {  	p2 =	seq.s32 s10, $0x1;
	s10 =	sld [smem:$0x3FBB]  }
0x3d: {  	_ =	shalt  }
0x3e: {  	_ =	shalt  }
0x3f: {  	_ =	shalt  }
0x40: {  	_ =	shalt  }
0x41: {  	_ =	shalt  }
0x42: {  	_ =	shalt  }
0x43: {  	_ =	shalt  }
0x44: {  	_ =	shalt  }
0x45: {  	_ =	shalt  }
0x46: {  	_ =	shalt  }
0x47: {  	_ =	shalt  }
0x48: {  	_ =	shalt  }
0x49: {  	_ =	shalt  }
0x4a: {  	_ =	shalt  }
0x4b: {  	_ =	shalt  }
0x4c: {  	_ =	shalt  }
0x4d: {  	_ =	shalt  }
0x4e: {  	_ =	shalt  }
0x4f: {  	_ =	shalt  }
0x50: {  	_ =	shalt  }
0x51: {  	_ =	shalt  }
0x52: {  	_ =	shalt  }
0x53: {  	_ =	shalt  }
0x54: {  	_ =	shalt  }
0x55: {  	_ =	shalt  }
0x56: {  	_ =	shalt  }
0x57: {  	_ =	shalt  }
0x58: {  	_ =	shalt  }
0x59: {  	_ =	shalt  }
0x5a: {  	_ =	shalt  }
0x5b: {  	_ =	shalt  }
0x5c: {  	_ =	shalt  }
0x5d: {  	_ =	shalt  }
0x5e: {  	_ =	shalt  }
0x5f: {  	_ =	shalt  }
0x60: {  	_ =	shalt  }
0x61: {  	_ =	shalt  }
0x62: {  	_ =	shalt  }
0x63: {  	_ =	shalt  }
0x64: {  	_ =	shalt  }
0x65: {  	_ =	shalt  }
0x66: {  	_ =	shalt  }
0x67: {  	_ =	shalt  }
0x68: {  	_ =	shalt  }
0x69: {  	_ =	shalt  }
0x6a: {  	_ =	shalt  }
0x6b: {  	_ =	shalt  }
0x6c: {  	_ =	shalt  }
0x6d: {  	_ =	shalt  }
0x6e: {  	_ =	shalt  }
0x6f: {  	_ =	shalt  }
0x70: {  	_ =	shalt  }
0x71: {  	_ =	shalt  }
0x72: {  	_ =	shalt  }
0x73: {  	_ =	shalt  }
0x74: {  	_ =	shalt  }
0x75: {  	_ =	shalt  }
0x76: {  	_ =	shalt  }
0x77: {  	_ =	shalt  }
0x78: {  	_ =	shalt  }
0x79: {  	_ =	shalt  }
0x7a: {  	_ =	shalt  }
0x7b: {  	_ =	shalt  }
0x7c: {  	_ =	shalt  }
0x7d: {  	_ =	shalt  }
0x7e: {  	_ =	shalt  }
0x7f: {  	_ =	shalt  }
0x80: {  	_ =	shalt  }
0x81: {  	_ =	shalt  }
0x82: {  	_ =	shalt  }
0x83: {  	_ =	shalt  }
0x84: {  	_ =	shalt  }
0x85: {  	_ =	shalt  }
0x86: {  	_ =	shalt  }
0x87: {  	_ =	shalt  }
.Lfunc_end0:
.L_simem_size_0:
called_computation_lowered:
.L_overlay_start_0:
0x88: {  	s2 =	sld [smem:$0x3FD9]  }
0x89: {  	s3 =	sld [smem:$0x3FFE];
	_ =	sdelay $0x1  }
0x8a: {  	s1 =	srdreg.scid  }
0x8b: {  	s0 =	sand.u32 $0x1, s1  }
0x8c: {  	s18 =	sshll.u32 s0, $0xA;
	s2 =	sadd.s32 s3, s2  }
0x8d: {  	s2 =	sadd.s32 s2, s18  }
0x8e: {  	[smem:$0x3FC7] =	sst s2  }
0x8f: {  	_ = 	snop  }
0x90: {  	s2 =	sld [smem:$0x3FC9]  }
0x91: {  	s19 =	sld [smem:$0x3FD0];
	(tm) =	ssettm $0x1  }
0x92: {  	s4 =	sld [smem:$0x3FFB];
	_ =	sdelay $0x3  }
0x93: {  	_ =	strace s4  }
0x94: {  	s4 =	sld [smem:$0x3FFC];
	_ =	sdelay $0x3  }
0x95: {  	_ =	strace s4  }
0x96: {  	s4 =	sld [smem:$0x3FFD];
	_ =	sdelay $0x3  }
0x97: {  	_ =	strace s4  }
0x98: {  	_ =	strace $0x8FFFFFFF  }
0x99: {  	s20 =	sld [smem:$0x3FDB];
	_ =	sdelay $0x1  }
0x9a: {  	s5 =	simm.s32 $_scs_section_size  }
0x9b: {  	s6 =	simm.s32 $_size__tile_overlayer_lowered;
	s7 =	simm.s32 $_tile_overlayer_lowered  }
0x9c: {  	s23 =	simm.s32 $0x1BFF;
	s22 =	sshll.u32 s7, $0x1;
	s4 =	sadd.s32 s5, s20  }
0x9d: {  	s8 =	simm.s32 $0x0;
	s21 =	sshll.u32 s6, $0x1;
	s6 =	sadd.s32 s22, s4  }
0x9e: {  	[timem:s8], [sflag:s23] =	dma.local [hbm:s6], s21  }
0x9f: {  	_ =	swait.ge [sflag:s23], s21  }
0xa0: {  	s5 =	ssub.s32 $0x0, s21;
	[sflag:s23] =	ssyncset.done $0x0  }
0xa1: {  	[sflag:s23] =	ssyncadd.s32 s5;
	_ =	sdelay $0x1  }
0xa2: {  	s24 =	simm.s32 $0x1B8B  }
0xa3: {  	_ =	swait.ge [sflag:s24], $0x1  }
0xa4: {  	[sflag:s24] =	ssyncset.done $0x0  }
0xa5: {  	s25 =	simm.s32 $0x1B8E;
	[sflag:s24] =	ssyncadd.s32 $0xFFFFFFFF  }
0xa6: {  	s26 =	simm.s32 $execute0_lowered;
	[smem:$0x3FD2] =	sst s25  }
0xa7: {  	s5 =	sshll.u32 s26, $0x1;
	_ =	strace $0x80000046;
	[dreg:$0x1] =	wrdreg $0xFFFFFFFF  }
0xa8: {  	s28 =	simm.s32 $_size_execute0_lowered;
	s4 =	sadd.s32 s4, s5;
	[dreg:$0x0] =	wrdreg $0x0  }
0xa9: {  	s5 =	sshll.u32 s28, $0x1;
	[dreg:$0x2] =	wrdreg s4  }
0xaa: {  	[dreg:$0x3] =	wrdreg s5  }
0xab: {  	[dreg:$0x4] =	wrdreg $0xC0  }
0xac: {  	_ =	task [dreg:s8], $0x5FFFF  }
0xad: {  	[dreg:$0x1] =	wrdreg $0xFFFFFFFF  }
0xae: {  	[dreg:$0x0] =	wrdreg $0x60  }
0xaf: {  	[dreg:$0x2] =	wrdreg s2  }
0xb0: {  	[dreg:$0x3] =	wrdreg s19  }
0xb1: {  	[dreg:$0x4] =	wrdreg $0x9  }
0xb2: {  	_ =	task.clear_ibuf [dreg:s8], $0x5FFFF;
	_ =	strace $0x90000046  }
0xb3: {  	s29 =	simm.s32 $0x9;
	_ =	strace $0x80000048  }
0xb4: {  	_ =	swait.ge [sflag:s29], $0x1  }
0xb5: {  	[sflag:s29] =	ssyncadd.s32 $0xFFFFFFFF  }
0xb6: {  	_ =	strace $0x90000048  }
0xb7: {  	_ =	sfence  }
0xb8: {  	s30 =	sld [smem:$0x0];
	_ =	sdelay $0x2  }
0xb9: {  	s31 =	sshll.u32 s1, $0xD;
	s1 =	sshrl.u32 s1, $0x2  }
0xba: {  	s3 =	sand.u32 $0x4000, s31;
	s1 =	sadd.s32 s1, s30  }
0xbb: {  	s0 =	sor.u32 s3, s0;
	s1 =	sshll.u32 s1, $0x11  }
0xbc: {  	s0 =	sor.u32 s1, s0  }
0xbd: {  	s0 =	sadd.s32 $0x8F2B, s0  }
0xbe: {  	[sflag:s0] =	ssyncadd.remote.s32 $0x1  }
0xbf: {  	_ =	sfence.sel $0xFFFF  }
0xc0: {  	[dreg:$0x0] =	wrdreg $0xFFFFFFFF;
	(pc) =	sbr.abs _section_cstart, $3  }
0xc1: {  	[dreg:$0x1] =	wrdreg $0xFFFFFFFF  }
0xc2: {  	_ =	task.clear_ibuf [dreg:s8], $0x2FFFF;
	_ =	strace $0x9FFFFFFF  }
0xc3: {  	(tm) =	ssettm $0x7FFFFFFF  }
tec
execute0_lowered:
.L_overlay_start_1:
0x0: {  	(tag) =	ssettag $0x1  }
0x1: {  	s8 =	rddreg [dreg:$0x0]  }
0x2: {  	s9 =	rddreg [dreg:$0x1]  }
0x3: {  	s0 =	rddreg [dreg:$0x2];
	s3 =	srdreg.scid  }
0x4: {  	s2 =	simm.s32 $0x0;
	s1 =	stileid.u32;
	s14 =	simm.s32 $0x0  }
0x5: {  	s3 =	sand.u32 $0x1, s3;
	s10 =	sshll.u32 s1, $0x10;
	[smem:$0x7FF] =	sst s2  }
0x6: {  	s4 =	ssub.s32 $0x2, s3;
	s11 =	sshll.u32 s3, $0xF;
	_ =	strace $0x80000047  }
0x7: {  	s13 =	sadd.s32 s10, s8;
	s30 =	sshrl.u32 s4, $0x1;
	s5 =	sor.u32 s11, s10  }
0x8: {  	s31 =	sadd.s32 s11, s13;
	s13 =	simm.s32 $0x8000;
	s4 =	ssub.s32 s4, s30  }
0x9: {  	s12 =	sadd.s32 s5, s9;
	s3 =	sadd.s32 s8, s5;
	s9 =	sadd.s32 s10, s9  }
0xa: {  	s10 =	sadd.s32 $0x1000, s31;
	s4 =	smax.u32 s4, $0x1;
	s5 =	sadd.s32 $0x7000, s12  }
0xb: {  	s6 =	sadd.s32 $0x107000, s12;
	s7 =	sadd.s32 $0x207000, s12;
	s8 =	sadd.s32 $0x307000, s12  }
0xc: {  	s9 =	sadd.s32 s11, s9;
	s11 =	simm.s32 $0x1;
	s12 =	simm.s32 $0x2  }
.LBB2_1:
0xd: {  	[tilespmem:s2], [sflag:$0x1] =	stream.linear.gather [hbm4b:s3+s2], $0x8000, $0x38;
	[tilespmem:$0x10000] =	vst v63  }
0xe: {  	s15 =	simm.s32 $0x20000;
	s16 =	sadd.s32 $0x0, s10;
	_ =	swait.ge [sflag:s11], $0x8000  }
0xf: {  	s17 =	simm.s32 $0x0;
	s18 =	sand.u32 $0x20000, s15;
	[sflag:s11] =	ssyncset.done $0x0  }
0x10: {  	s17 =	sand.u32 $0x20000, s17;
	s18 =	sshrl.u32 s18, $0x2;
	[sflag:s11] =	ssyncadd.s32 $0xFFFF8000  }
0x11: {  	[tilespmem:s18], [sflag:$0x1] =	stream.linear.gather [hbm4b:s16+s2], $0x8000, $0x38;
	[tilespmem:$0x10000] =	vst v63  }
0x12: {  	s29 =	sadd.s32 $0x0, s9;
	s28 =	sshrl.u32 s17, $0x2  }
0x13: {  	[hbm4b:s29+s2] =	stream.linear.scatter [tilespmem:s28], [sflag:$0x2], $0x8000, $0x38;
	[tilespmem:$0x10000] =	vst v63  }
0x14: {  	s30 =	sadd.s32 $0x100000, s29  }
0x15: {  	[hbm4b:s30+s2] =	stream.linear.scatter [tilespmem:s28], [sflag:$0x2], $0x8000, $0x38;
	[tilespmem:$0x10000] =	vst v63  }
0x16: {  	s31 =	sadd.s32 $0x200000, s29  }
0x17: {  	[hbm4b:s31+s2] =	stream.linear.scatter [tilespmem:s28], [sflag:$0x2], $0x8000, $0x38;
	[tilespmem:$0x10000] =	vst v63  }
0x18: {  	s17 =	sadd.s32 $0x300000, s29  }
0x19: {  	[hbm4b:s17+s2] =	stream.linear.scatter [tilespmem:s28], [sflag:$0x2], $0x8000, $0x38;
	[tilespmem:$0x10000] =	vst v63  }
0x1a: {  	_ =	swait.ge [sflag:s12], $0x8000  }
0x1b: {  	[sflag:s12] =	ssyncset.done $0x0  }
0x1c: {  	[sflag:s12] =	ssyncadd.s32 $0xFFFF8000  }
0x1d: {  	_ =	swait.ge [sflag:s12], $0x8000  }
0x1e: {  	[sflag:s12] =	ssyncset.done $0x0  }
0x1f: {  	[sflag:s12] =	ssyncadd.s32 $0xFFFF8000  }
0x20: {  	_ =	swait.ge [sflag:s12], $0x8000  }
0x21: {  	[sflag:s12] =	ssyncset.done $0x0  }
0x22: {  	[sflag:s12] =	ssyncadd.s32 $0xFFFF8000  }
0x23: {  	_ =	swait.ge [sflag:s12], $0x8000  }
0x24: {  	s16 =	simm.s32 $0x1000;
	[sflag:s12] =	ssyncset.done $0x0  }
.LBB2_2:
0x25: {  	p0 =	sne.s32 s16, $0x6000  }
0x26: {  	[sflag:s12] =	ssyncadd.s32 $0xFFFF8000;
	s15 =	sadd.s32 $0x20000, s15;
	s17 =	smov.u32 s16  }
0x27: {  	s16 =	sadd.s32 $0x1000, s16;
	_ =	swait.ge [sflag:s11], $0x8000;
	s18 =	sadd.s32 s17, s10  }
0x28: {  	s19 =	sadd.s32 $0xFFFE0000, s15;
	s20 =	sand.u32 $0x20000, s15;
	[sflag:s11] =	ssyncset.done $0x0  }
0x29: {  	s19 =	sand.u32 $0x20000, s19;
	s20 =	sshrl.u32 s20, $0x2;
	[sflag:s11] =	ssyncadd.s32 $0xFFFF8000  }
0x2a: {  	[tilespmem:s20], [sflag:$0x1] =	stream.linear.gather [hbm4b:s18+s2], $0x8000, $0x38;
	[tilespmem:$0x10000] =	vst v63  }
0x2b: {  	s17 =	sadd.s32 s17, s9;
	s18 =	sshrl.u32 s19, $0x2  }
0x2c: {  	[hbm4b:s17+s2] =	stream.linear.scatter [tilespmem:s18], [sflag:$0x2], $0x8000, $0x38;
	[tilespmem:$0x10000] =	vst v63  }
0x2d: {  	s19 =	sadd.s32 $0x100000, s17  }
0x2e: {  	[hbm4b:s19+s2] =	stream.linear.scatter [tilespmem:s18], [sflag:$0x2], $0x8000, $0x38;
	[tilespmem:$0x10000] =	vst v63  }
0x2f: {  	s19 =	sadd.s32 $0x200000, s17  }
0x30: {  	[hbm4b:s19+s2] =	stream.linear.scatter [tilespmem:s18], [sflag:$0x2], $0x8000, $0x38;
	[tilespmem:$0x10000] =	vst v63  }
0x31: {  	s17 =	sadd.s32 $0x300000, s17  }
0x32: {  	[hbm4b:s17+s2] =	stream.linear.scatter [tilespmem:s18], [sflag:$0x2], $0x8000, $0x38;
	[tilespmem:$0x10000] =	vst v63  }
0x33: {  	_ =	swait.ge [sflag:s12], $0x8000  }
0x34: {  	[sflag:s12] =	ssyncset.done $0x0  }
0x35: {  	[sflag:s12] =	ssyncadd.s32 $0xFFFF8000  }
0x36: {  	_ =	swait.ge [sflag:s12], $0x8000  }
0x37: {  	[sflag:s12] =	ssyncset.done $0x0  }
0x38: {  	[sflag:s12] =	ssyncadd.s32 $0xFFFF8000  }
.Ltmp0:
0x39: {  	_ =	swait.ge [sflag:s12], $0x8000;
	(pc) =	sbr.rel @p0 .LBB2_2-.Ltmp0, $4  }
0x3a: {  	[sflag:s12] =	ssyncset.done $0x0  }
0x3b: {  	[sflag:s12] =	ssyncadd.s32 $0xFFFF8000  }
0x3c: {  	_ =	swait.ge [sflag:s12], $0x8000  }
0x3d: {  	[sflag:s12] =	ssyncset.done $0x0  }
0x3e: {  	[sflag:s12] =	ssyncadd.s32 $0xFFFF8000  }
0x3f: {  	_ =	swait.ge [sflag:s11], $0x8000  }
0x40: {  	[sflag:s11] =	ssyncset.done $0x0  }
0x41: {  	[sflag:s11] =	ssyncadd.s32 $0xFFFF8000  }
0x42: {  	[hbm4b:s5+s2] =	stream.linear.scatter [tilespmem:s13], [sflag:$0x2], $0x8000, $0x38;
	[tilespmem:$0x10000] =	vst v63  }
0x43: {  	_ = 	snop  }
0x44: {  	[hbm4b:s6+s2] =	stream.linear.scatter [tilespmem:s13], [sflag:$0x2], $0x8000, $0x38;
	[tilespmem:$0x10000] =	vst v63  }
0x45: {  	_ = 	snop  }
0x46: {  	[hbm4b:s7+s2] =	stream.linear.scatter [tilespmem:s13], [sflag:$0x2], $0x8000, $0x38;
	[tilespmem:$0x10000] =	vst v63  }
0x47: {  	_ = 	snop  }
0x48: {  	[hbm4b:s8+s2] =	stream.linear.scatter [tilespmem:s13], [sflag:$0x2], $0x8000, $0x38;
	[tilespmem:$0x10000] =	vst v63  }
0x49: {  	_ =	swait.ge [sflag:s12], $0x8000  }
0x4a: {  	[sflag:s12] =	ssyncset.done $0x0  }
0x4b: {  	[sflag:s12] =	ssyncadd.s32 $0xFFFF8000  }
0x4c: {  	_ =	swait.ge [sflag:s12], $0x8000  }
0x4d: {  	[sflag:s12] =	ssyncset.done $0x0  }
0x4e: {  	s14 =	sadd.s32 $0x1, s14;
	[sflag:s12] =	ssyncadd.s32 $0xFFFF8000  }
0x4f: {  	p0 =	sne.s32 s14, s4;
	_ =	swait.ge [sflag:s12], $0x8000  }
.Ltmp1:
0x50: {  	[sflag:s12] =	ssyncset.done $0x0;
	(pc) =	sbr.rel @p0 .LBB2_1-.Ltmp1, $4  }
0x51: {  	[sflag:s12] =	ssyncadd.s32 $0xFFFF8000  }
0x52: {  	_ =	swait.ge [sflag:s12], $0x8000  }
0x53: {  	[sflag:s12] =	ssyncset.done $0x0  }
0x54: {  	[sflag:s12] =	ssyncadd.s32 $0xFFFF8000  }
0x55: {  	_ =	sfence.sel $0x180000  }
0x56: {  	[bflag:$0x0] =	sbarrier.arrive $0xFFFF  }
0x57: {  	p0 =	sne.s32 s1, $0x0;
	_ =	strace $0x90000047  }
0x58: {  	s0 =	sadd.s32 @!p0 $0x100000, s0;
	[bflag:$0x2] =	sbarrier.arrive $0xFFFF  }
0x59: {  	[sflag:s0] =	ssyncadd.tile.s32 @!p0 $0x1;
	_ =	shalt  }
.Lfunc_end2:
_tile_overlayer_lowered:
.L_overlay_start_2:
0x5a: {  	(tag) =	ssettag $0x2  }
0x5b: {  	s0 =	rddreg [dreg:$0x0];
	s2 =	stileid.u32  }
0x5c: {  	s1 =	rddreg [dreg:$0x1];
	p0 =	sne.s32 s2, $0x0  }
0x5d: {  	s3 =	rddreg [dreg:$0x2];
	[bflag:$0x3] =	sbarrier.arrive $0xFFFF;
	s2 =	simm.s32 @!p0 $0x1C03  }
0x5e: {  	[timem:s3], [sflag:s2] =	dma.local @!p0 [hbm:s0], s1  }
0x5f: {  	s0 =	simm.s32 @!p0 $0x3  }
0x60: {  	_ =	swait.ge @!p0 [sflag:s0], s1  }
0x61: {  	s1 =	ssub.s32 @!p0 $0x0, s1;
	[sflag:s0] =	ssyncset.done @!p0 $0x0  }
0x62: {  	[sflag:s0] =	ssyncadd.s32 @!p0 s1  }
0x63: {  	[bflag:$0x3] =	sbarrier.arrive $0xFFFF  }
0x64: {  	_ =	shalt  }

</sc_bundles>
